<compile_context>
chip_gen: v7x
topology: tpu7x:2x2x1
jax: 0.10.2.dev20260603
libtpu: 0.0.44.dev20260713+nightly
codegen_flags: <defaults>
</compile_context>

<pallas_src>
import functools

import jax
import jax.numpy as jnp
from jax import lax
from jax.experimental import pallas as pl
from jax.experimental.pallas import tpu as pltpu
from jax.experimental.pallas import tpu_sc as plsc

_info = plsc.get_sparse_core_info()
_NC, _NS, _L = _info.num_cores, _info.num_subcores, _info.num_lanes
_NW = _NC * _NS

_CH = 128


def _sc_gather(x2d, table, n_idx, d, per_w, nch, field_stride):
    mesh = plsc.VectorSubcoreMesh(core_axis_name="c", subcore_axis_name="s")

    @functools.partial(
        pl.kernel,
        mesh=mesh,
        out_type=jax.ShapeDtypeStruct((n_idx, d), jnp.float32),
        compiler_params=pltpu.CompilerParams(use_tc_tiling_on_sc=False),
        scratch_types=[
            pltpu.VMEM((nch, _CH), jnp.int32),
            pltpu.VMEM((_CH, d), jnp.float32),
            pltpu.VMEM((_CH, d), jnp.float32),
            pltpu.SemaphoreType.DMA,
            pltpu.SemaphoreType.DMA,
        ],
    )
    def k(x_hbm, tab_hbm, out_hbm, idx_v, rows_a, rows_b, sem_a, sem_b):
        wid = lax.axis_index("s") * _NC + lax.axis_index("c")
        pltpu.sync_copy(x_hbm.at[wid], idx_v)

        offv = lax.rem(lax.iota(jnp.int32, 16), jnp.int32(2)) * jnp.int32(
            field_stride
        )

        def add_body(j, carry):
            for s in range(_CH // _L):
                sl = idx_v[j, pl.ds(s * _L, _L)]
                idx_v[j, pl.ds(s * _L, _L)] = sl + offv
            return carry

        lax.fori_loop(0, nch, add_body, 0)

        out0 = wid * per_w
        bufs = (rows_a, rows_b)
        sems = (sem_a, sem_b)

        def start_gather(j, b):
            pltpu.async_copy(tab_hbm.at[idx_v.at[j]], bufs[b], sems[b])

        def drain(b):
            pltpu.make_async_copy(tab_hbm.at[idx_v.at[0]], bufs[b], sems[b]).wait()

        start_gather(0, 0)
        start_gather(1, 1)

        def g_body(i, carry):
            j = i * 2
            for bi in range(2):
                c = j + bi
                drain(bi)
                pltpu.sync_copy(
                    bufs[bi], out_hbm.at[pl.ds(out0 + c * _CH, _CH)]
                )

                @pl.when(c + 2 < nch)
                def _():
                    start_gather(c + 2, bi)
            return carry

        lax.fori_loop(0, nch // 2, g_body, 0)

    return k(x2d, table)


def _tc_project(g2, w, b2, blk=2048):
    m, kdim = g2.shape
    d = w.shape[0]

    def body(g_ref, w_ref, b_ref, o_ref):
        o_ref[...] = (
            lax.dot_general(
                g_ref[...],
                w_ref[...],
                (((1,), (1,)), ((), ())),
                preferred_element_type=jnp.float32,
            )
            + b_ref[...]
        )

    return pl.pallas_call(
        body,
        grid=(m // blk,),
        in_specs=[
            pl.BlockSpec((blk, kdim), lambda i: (i, 0)),
            pl.BlockSpec((d, kdim), lambda i: (0, 0)),
            pl.BlockSpec((1, d), lambda i: (0, 0)),
        ],
        out_specs=pl.BlockSpec((blk, d), lambda i: (i, 0)),
        out_shape=jax.ShapeDtypeStruct((m, d), jnp.float32),
    )(g2, w, b2)


def kernel(x, table, W, b):
    bsz, s, g, f = x.shape
    d = table.shape[1]
    n_idx = bsz * s * g * f
    field_stride = table.shape[0] // f

    per_w = n_idx // _NW
    nch = per_w // _CH

    x2d = x.reshape(_NW, nch, _CH)
    gathered = _sc_gather(x2d, table, n_idx, d, per_w, nch, field_stride)
    out = _tc_project(gathered.reshape(n_idx // f, f * d), W, b.reshape(1, d))
    return out.reshape(bsz, s, g, d)

# --- scband reference (transcript-rebuilt; emitter-appended) ---
"""Pipeline reference for scband-cate-feature-embedding-7851200217418 (READ-ONLY COPY).

The authoritative reference and input builder live on the scoring server;
editing this copy changes nothing except your own understanding.
"""

import jax, jax.numpy as jnp
import numpy as np

NUM_UNIQ = [1000000, 1000000]
EMBED_DIM = 32
B, S, G, F = 4096, 50, 1, 2


def setup_inputs(seed: int = 0) -> dict:
    key = jax.random.key(seed)
    k1, k2, k3, k4 = jax.random.split(key, 4)
    x = jax.random.randint(k1, (B, S, G, F), 0, min(NUM_UNIQ), dtype=jnp.int32)
    num_emb = int(np.sum(NUM_UNIQ))
    table = jax.random.normal(k2, (num_emb, EMBED_DIM), dtype=jnp.float32) * 0.05
    W = jax.random.normal(k3, (EMBED_DIM, EMBED_DIM * F), dtype=jnp.float32) * 0.05
    b = jax.random.normal(k4, (EMBED_DIM,), dtype=jnp.float32) * 0.05
    return {"x": x, "table": table, "W": W, "b": b}


def reference(x, table, W, b):
    # starts = cumsum offsets per categorical field: [0, 1000000]
    csum = np.cumsum(np.array(NUM_UNIQ, dtype=np.int64))
    starts = jnp.array(np.concatenate(([0], csum[:-1])), dtype=jnp.int32).reshape(1, -1)
    xs = x + starts  # broadcast over last dim (fields)
    emb = jnp.take(table, xs, axis=0)  # (B, S, G, F, D)
    emb = jnp.reshape(emb, (emb.shape[0], emb.shape[1], emb.shape[2], -1))  # (B, S, G, F*D)
    out = emb @ W.T + b  # Linear(F*D -> D)
    return out

if __name__ == "__main__":
    import jax
    _d = setup_inputs()
    print(jax.jit(kernel)(*tuple(_d.values())))

</pallas_src>

<mosaic_0001>
#map = affine_map<(d0, d1) -> (0, 0, 0)>
#map1 = affine_map<(d0, d1) -> (0, 0)>
module attributes {stable_mosaic.version = 14 : i64} {
  func.func @k(%arg0: i32, %arg1: i32, %arg2: memref<32x100x128xi32, #tpu.memory_space<hbm>>, %arg3: memref<2000000x32xf32, #tpu.memory_space<hbm>>, %arg4: memref<409600x32xf32, #tpu.memory_space<hbm>>, %arg5: memref<100x128xi32, #tpu.memory_space<vmem>>, %arg6: memref<128x32xf32, #tpu.memory_space<vmem>>, %arg7: memref<128x32xf32, #tpu.memory_space<vmem>>, %arg8: memref<!tpu.dma_semaphore, #tpu.memory_space<semaphore_mem>>, %arg9: memref<!tpu.dma_semaphore, #tpu.memory_space<semaphore_mem>>) attributes {dimension_semantics = [#tpu.dimension_semantics<core_parallel>, #tpu.dimension_semantics<subcore_parallel>], iteration_bounds = array<i64: 2, 16>, scalar_prefetch = 0 : i64, scratch_operands = 5 : i64, tpu.core_type = #tpu.core_type<sc_vector_subcore>, window_params = [{transform_indices = #map}, {transform_indices = #map1}, {transform_indices = #map1}]} {
    %mul3A = arith.constant 2 : i32
    %mul3A_0 = arith.muli %arg1, %mul3A : i32
    %add3A = arith.addi %mul3A_0, %arg0 : i32
    "tpu.region"() ({
      %run_scoped3A = tpu.sem_alloc : memref<!tpu.dma_semaphore, #tpu.memory_space<semaphore_mem>>
      %dma_start3A_32 = arith.constant 0 : i32
      %dma_start3A_33 = arith.constant 0 : i32
      %dma_start3A_34 = tpu.memref_slice %arg2[%add3A, %dma_start3A_32, %dma_start3A_33] : memref<32x100x128xi32, #tpu.memory_space<hbm>> -> memref<1x100x128xi32, #tpu.memory_space<hbm>>
      %dma_start3A_35 = tpu.memref_squeeze %dma_start3A_34 : memref<1x100x128xi32, #tpu.memory_space<hbm>> -> memref<100x128xi32, #tpu.memory_space<hbm>>
      %dma_start3A_36 = arith.constant 0 : i32
      %dma_start3A_37 = arith.constant 0 : i32
      %dma_start3A_38 = tpu.memref_slice %arg2[%add3A, %dma_start3A_36, %dma_start3A_37] : memref<32x100x128xi32, #tpu.memory_space<hbm>> -> memref<1x100x128xi32, #tpu.memory_space<hbm>>
      %dma_start3A_39 = tpu.memref_squeeze %dma_start3A_38 : memref<1x100x128xi32, #tpu.memory_space<hbm>> -> memref<100x128xi32, #tpu.memory_space<hbm>>
      tpu.enqueue_dma source(%dma_start3A_39 : memref<100x128xi32, #tpu.memory_space<hbm>>) target(%arg5 : memref<100x128xi32, #tpu.memory_space<vmem>>) target_semaphore(%run_scoped3A : memref<!tpu.dma_semaphore, #tpu.memory_space<semaphore_mem>>)
      %dma_wait3A = arith.constant 0 : i32
      %dma_wait3A_40 = arith.constant 0 : i32
      %dma_wait3A_41 = tpu.memref_slice %arg2[%add3A, %dma_wait3A, %dma_wait3A_40] : memref<32x100x128xi32, #tpu.memory_space<hbm>> -> memref<1x100x128xi32, #tpu.memory_space<hbm>>
      %dma_wait3A_42 = tpu.memref_squeeze %dma_wait3A_41 : memref<1x100x128xi32, #tpu.memory_space<hbm>> -> memref<100x128xi32, #tpu.memory_space<hbm>>
      %dma_wait3A_43 = arith.constant 0 : i32
      %dma_wait3A_44 = arith.constant 0 : i32
      %dma_wait3A_45 = tpu.memref_slice %arg2[%add3A, %dma_wait3A_43, %dma_wait3A_44] : memref<32x100x128xi32, #tpu.memory_space<hbm>> -> memref<1x100x128xi32, #tpu.memory_space<hbm>>
      %dma_wait3A_46 = tpu.memref_squeeze %dma_wait3A_45 : memref<1x100x128xi32, #tpu.memory_space<hbm>> -> memref<100x128xi32, #tpu.memory_space<hbm>>
      tpu.wait_dma2 semaphore(%run_scoped3A : memref<!tpu.dma_semaphore, #tpu.memory_space<semaphore_mem>>) src(%dma_wait3A_46 : memref<100x128xi32, #tpu.memory_space<hbm>>) dst(%arg5 : memref<100x128xi32, #tpu.memory_space<vmem>>)
      tpu.yield
    }) : () -> ()
    %iota3A = tpu.iota {dimensions = array<i32: 0>} : vector<16xi32>
    %rem3A = arith.constant 2 : i32
    %rem3A_1 = vector.broadcast %rem3A : i32 to vector<16xi32>
    %rem3A_2 = arith.remsi %iota3A, %rem3A_1 : vector<16xi32>
    %mul3A_3 = arith.constant 1000000 : i32
    %mul3A_4 = vector.broadcast %mul3A_3 : i32 to vector<16xi32>
    %mul3A_5 = arith.muli %rem3A_2, %mul3A_4 : vector<16xi32>
    %scan3A = arith.constant 0 : i32
    %scan3A_6 = arith.constant 0 : i32
    %scan3A_7 = arith.constant 100 : i32
    %scan3A_8 = arith.addi %scan3A_6, %scan3A_7 : i32
    %scan3A_9 = arith.constant 1 : i32
    scf.for %scan3A_32 = %scan3A_6 to %scan3A_8 step %scan3A_9  : i32 {
      %get3A = arith.index_cast %scan3A_32 : i32 to index
      %get3A_33 = arith.constant 0 : index
      %get3A_34 = tpu.vector_load %arg5[%get3A, %get3A_33] {strides = array<i32>} : memref<100x128xi32, #tpu.memory_space<vmem>>, vector<1x16xi32>,
      %get3A_35 = vector.shape_cast %get3A_34 : vector<1x16xi32> to vector<16xi32>
      %add3A_36 = arith.addi %get3A_35, %mul3A_5 : vector<16xi32>
      %swap3A = arith.index_cast %scan3A_32 : i32 to index
      %swap3A_37 = arith.constant 0 : index
      %swap3A_38 = tpu.vector_load %arg5[%swap3A, %swap3A_37] {strides = array<i32>} : memref<100x128xi32, #tpu.memory_space<vmem>>, vector<1x16xi32>,
      %swap3A_39 = vector.shape_cast %swap3A_38 : vector<1x16xi32> to vector<16xi32>
      %swap3A_40 = vector.shape_cast %add3A_36 : vector<16xi32> to vector<1x16xi32>
      tpu.vector_store %arg5[%swap3A, %swap3A_37], %swap3A_40 {strides = array<i32>} : memref<100x128xi32, #tpu.memory_space<vmem>>, vector<1x16xi32>,
      %get3A_41 = arith.index_cast %scan3A_32 : i32 to index
      %get3A_42 = arith.constant 16 : index
      %get3A_43 = tpu.vector_load %arg5[%get3A_41, %get3A_42] {strides = array<i32>} : memref<100x128xi32, #tpu.memory_space<vmem>>, vector<1x16xi32>,
      %get3A_44 = vector.shape_cast %get3A_43 : vector<1x16xi32> to vector<16xi32>
      %add3A_45 = arith.addi %get3A_44, %mul3A_5 : vector<16xi32>
      %swap3A_46 = arith.index_cast %scan3A_32 : i32 to index
      %swap3A_47 = arith.constant 16 : index
      %swap3A_48 = tpu.vector_load %arg5[%swap3A_46, %swap3A_47] {strides = array<i32>} : memref<100x128xi32, #tpu.memory_space<vmem>>, vector<1x16xi32>,
      %swap3A_49 = vector.shape_cast %swap3A_48 : vector<1x16xi32> to vector<16xi32>
      %swap3A_50 = vector.shape_cast %add3A_45 : vector<16xi32> to vector<1x16xi32>
      tpu.vector_store %arg5[%swap3A_46, %swap3A_47], %swap3A_50 {strides = array<i32>} : memref<100x128xi32, #tpu.memory_space<vmem>>, vector<1x16xi32>,
      %get3A_51 = arith.index_cast %scan3A_32 : i32 to index
      %get3A_52 = arith.constant 32 : index
      %get3A_53 = tpu.vector_load %arg5[%get3A_51, %get3A_52] {strides = array<i32>} : memref<100x128xi32, #tpu.memory_space<vmem>>, vector<1x16xi32>,
      %get3A_54 = vector.shape_cast %get3A_53 : vector<1x16xi32> to vector<16xi32>
      %add3A_55 = arith.addi %get3A_54, %mul3A_5 : vector<16xi32>
      %swap3A_56 = arith.index_cast %scan3A_32 : i32 to index
      %swap3A_57 = arith.constant 32 : index
      %swap3A_58 = tpu.vector_load %arg5[%swap3A_56, %swap3A_57] {strides = array<i32>} : memref<100x128xi32, #tpu.memory_space<vmem>>, vector<1x16xi32>,
      %swap3A_59 = vector.shape_cast %swap3A_58 : vector<1x16xi32> to vector<16xi32>
      %swap3A_60 = vector.shape_cast %add3A_55 : vector<16xi32> to vector<1x16xi32>
      tpu.vector_store %arg5[%swap3A_56, %swap3A_57], %swap3A_60 {strides = array<i32>} : memref<100x128xi32, #tpu.memory_space<vmem>>, vector<1x16xi32>,
      %get3A_61 = arith.index_cast %scan3A_32 : i32 to index
      %get3A_62 = arith.constant 48 : index
      %get3A_63 = tpu.vector_load %arg5[%get3A_61, %get3A_62] {strides = array<i32>} : memref<100x128xi32, #tpu.memory_space<vmem>>, vector<1x16xi32>,
      %get3A_64 = vector.shape_cast %get3A_63 : vector<1x16xi32> to vector<16xi32>
      %add3A_65 = arith.addi %get3A_64, %mul3A_5 : vector<16xi32>
      %swap3A_66 = arith.index_cast %scan3A_32 : i32 to index
      %swap3A_67 = arith.constant 48 : index
      %swap3A_68 = tpu.vector_load %arg5[%swap3A_66, %swap3A_67] {strides = array<i32>} : memref<100x128xi32, #tpu.memory_space<vmem>>, vector<1x16xi32>,
      %swap3A_69 = vector.shape_cast %swap3A_68 : vector<1x16xi32> to vector<16xi32>
      %swap3A_70 = vector.shape_cast %add3A_65 : vector<16xi32> to vector<1x16xi32>
      tpu.vector_store %arg5[%swap3A_66, %swap3A_67], %swap3A_70 {strides = array<i32>} : memref<100x128xi32, #tpu.memory_space<vmem>>, vector<1x16xi32>,
      %get3A_71 = arith.index_cast %scan3A_32 : i32 to index
      %get3A_72 = arith.constant 64 : index
      %get3A_73 = tpu.vector_load %arg5[%get3A_71, %get3A_72] {strides = array<i32>} : memref<100x128xi32, #tpu.memory_space<vmem>>, vector<1x16xi32>,
      %get3A_74 = vector.shape_cast %get3A_73 : vector<1x16xi32> to vector<16xi32>
      %add3A_75 = arith.addi %get3A_74, %mul3A_5 : vector<16xi32>
      %swap3A_76 = arith.index_cast %scan3A_32 : i32 to index
      %swap3A_77 = arith.constant 64 : index
      %swap3A_78 = tpu.vector_load %arg5[%swap3A_76, %swap3A_77] {strides = array<i32>} : memref<100x128xi32, #tpu.memory_space<vmem>>, vector<1x16xi32>,
      %swap3A_79 = vector.shape_cast %swap3A_78 : vector<1x16xi32> to vector<16xi32>
      %swap3A_80 = vector.shape_cast %add3A_75 : vector<16xi32> to vector<1x16xi32>
      tpu.vector_store %arg5[%swap3A_76, %swap3A_77], %swap3A_80 {strides = array<i32>} : memref<100x128xi32, #tpu.memory_space<vmem>>, vector<1x16xi32>,
      %get3A_81 = arith.index_cast %scan3A_32 : i32 to index
      %get3A_82 = arith.constant 80 : index
      %get3A_83 = tpu.vector_load %arg5[%get3A_81, %get3A_82] {strides = array<i32>} : memref<100x128xi32, #tpu.memory_space<vmem>>, vector<1x16xi32>,
      %get3A_84 = vector.shape_cast %get3A_83 : vector<1x16xi32> to vector<16xi32>
      %add3A_85 = arith.addi %get3A_84, %mul3A_5 : vector<16xi32>
      %swap3A_86 = arith.index_cast %scan3A_32 : i32 to index
      %swap3A_87 = arith.constant 80 : index
      %swap3A_88 = tpu.vector_load %arg5[%swap3A_86, %swap3A_87] {strides = array<i32>} : memref<100x128xi32, #tpu.memory_space<vmem>>, vector<1x16xi32>,
      %swap3A_89 = vector.shape_cast %swap3A_88 : vector<1x16xi32> to vector<16xi32>
      %swap3A_90 = vector.shape_cast %add3A_85 : vector<16xi32> to vector<1x16xi32>
      tpu.vector_store %arg5[%swap3A_86, %swap3A_87], %swap3A_90 {strides = array<i32>} : memref<100x128xi32, #tpu.memory_space<vmem>>, vector<1x16xi32>,
      %get3A_91 = arith.index_cast %scan3A_32 : i32 to index
      %get3A_92 = arith.constant 96 : index
      %get3A_93 = tpu.vector_load %arg5[%get3A_91, %get3A_92] {strides = array<i32>} : memref<100x128xi32, #tpu.memory_space<vmem>>, vector<1x16xi32>,
      %get3A_94 = vector.shape_cast %get3A_93 : vector<1x16xi32> to vector<16xi32>
      %add3A_95 = arith.addi %get3A_94, %mul3A_5 : vector<16xi32>
      %swap3A_96 = arith.index_cast %scan3A_32 : i32 to index
      %swap3A_97 = arith.constant 96 : index
      %swap3A_98 = tpu.vector_load %arg5[%swap3A_96, %swap3A_97] {strides = array<i32>} : memref<100x128xi32, #tpu.memory_space<vmem>>, vector<1x16xi32>,
      %swap3A_99 = vector.shape_cast %swap3A_98 : vector<1x16xi32> to vector<16xi32>
      %swap3A_100 = vector.shape_cast %add3A_95 : vector<16xi32> to vector<1x16xi32>
      tpu.vector_store %arg5[%swap3A_96, %swap3A_97], %swap3A_100 {strides = array<i32>} : memref<100x128xi32, #tpu.memory_space<vmem>>, vector<1x16xi32>,
      %get3A_101 = arith.index_cast %scan3A_32 : i32 to index
      %get3A_102 = arith.constant 112 : index
      %get3A_103 = tpu.vector_load %arg5[%get3A_101, %get3A_102] {strides = array<i32>} : memref<100x128xi32, #tpu.memory_space<vmem>>, vector<1x16xi32>,
      %get3A_104 = vector.shape_cast %get3A_103 : vector<1x16xi32> to vector<16xi32>
      %add3A_105 = arith.addi %get3A_104, %mul3A_5 : vector<16xi32>
      %swap3A_106 = arith.index_cast %scan3A_32 : i32 to index
      %swap3A_107 = arith.constant 112 : index
      %swap3A_108 = tpu.vector_load %arg5[%swap3A_106, %swap3A_107] {strides = array<i32>} : memref<100x128xi32, #tpu.memory_space<vmem>>, vector<1x16xi32>,
      %swap3A_109 = vector.shape_cast %swap3A_108 : vector<1x16xi32> to vector<16xi32>
      %swap3A_110 = vector.shape_cast %add3A_105 : vector<16xi32> to vector<1x16xi32>
      tpu.vector_store %arg5[%swap3A_106, %swap3A_107], %swap3A_110 {strides = array<i32>} : memref<100x128xi32, #tpu.memory_space<vmem>>, vector<1x16xi32>,
    }
    %scan3A_10 = arith.constant 100 : i32
    %mul3A_11 = arith.constant 12800 : i32
    %mul3A_12 = arith.muli %add3A, %mul3A_11 : i32
    %dma_start3A = arith.constant 0 : i32
    %dma_start3A_13 = arith.constant 0 : i32
    %dma_start3A_14 = tpu.memref_slice %arg5[%dma_start3A, %dma_start3A_13] : memref<100x128xi32, #tpu.memory_space<vmem>> -> memref<1x128xi32, #tpu.memory_space<vmem>>
    %dma_start3A_15 = tpu.memref_squeeze %dma_start3A_14 : memref<1x128xi32, #tpu.memory_space<vmem>> -> memref<128xi32, #tpu.memory_space<vmem>>
    %dma_start3A_16 = arith.constant 0 : i32
    %dma_start3A_17 = arith.constant 0 : i32
    %dma_start3A_18 = tpu.memref_slice %arg3[%dma_start3A_16, %dma_start3A_17] : memref<2000000x32xf32, #tpu.memory_space<hbm>> -> memref<2000000x32xf32, #tpu.memory_space<hbm>>
    tpu.enqueue_indirect_dma source(%dma_start3A_18 : memref<2000000x32xf32, #tpu.memory_space<hbm>>) target(%arg6 : memref<128x32xf32, #tpu.memory_space<vmem>>) offsets(%dma_start3A_15 : memref<128xi32, #tpu.memory_space<vmem>>) semaphore(%arg8 : memref<!tpu.dma_semaphore, #tpu.memory_space<semaphore_mem>>)
    %dma_start3A_19 = arith.constant 1 : i32
    %dma_start3A_20 = arith.constant 0 : i32
    %dma_start3A_21 = tpu.memref_slice %arg5[%dma_start3A_19, %dma_start3A_20] : memref<100x128xi32, #tpu.memory_space<vmem>> -> memref<1x128xi32, #tpu.memory_space<vmem>>
    %dma_start3A_22 = tpu.memref_squeeze %dma_start3A_21 : memref<1x128xi32, #tpu.memory_space<vmem>> -> memref<128xi32, #tpu.memory_space<vmem>>
    %dma_start3A_23 = arith.constant 0 : i32
    %dma_start3A_24 = arith.constant 0 : i32
    %dma_start3A_25 = tpu.memref_slice %arg3[%dma_start3A_23, %dma_start3A_24] : memref<2000000x32xf32, #tpu.memory_space<hbm>> -> memref<2000000x32xf32, #tpu.memory_space<hbm>>
    tpu.enqueue_indirect_dma source(%dma_start3A_25 : memref<2000000x32xf32, #tpu.memory_space<hbm>>) target(%arg7 : memref<128x32xf32, #tpu.memory_space<vmem>>) offsets(%dma_start3A_22 : memref<128xi32, #tpu.memory_space<vmem>>) semaphore(%arg9 : memref<!tpu.dma_semaphore, #tpu.memory_space<semaphore_mem>>)
    %scan3A_26 = arith.constant 0 : i32
    %scan3A_27 = arith.constant 0 : i32
    %scan3A_28 = arith.constant 50 : i32
    %scan3A_29 = arith.addi %scan3A_27, %scan3A_28 : i32
    %scan3A_30 = arith.constant 1 : i32
    scf.for %scan3A_32 = %scan3A_27 to %scan3A_29 step %scan3A_30  : i32 {
      %mul3A_33 = arith.constant 2 : i32
      %mul3A_34 = arith.muli %scan3A_32, %mul3A_33 : i32
      %add3A_35 = arith.constant 0 : i32
      %add3A_36 = arith.addi %mul3A_34, %add3A_35 : i32
      %dma_wait3A = arith.constant 0 : i32
      %dma_wait3A_37 = arith.constant 0 : i32
      %dma_wait3A_38 = tpu.memref_slice %arg5[%dma_wait3A, %dma_wait3A_37] : memref<100x128xi32, #tpu.memory_space<vmem>> -> memref<1x128xi32, #tpu.memory_space<vmem>>
      %dma_wait3A_39 = tpu.memref_squeeze %dma_wait3A_38 : memref<1x128xi32, #tpu.memory_space<vmem>> -> memref<128xi32, #tpu.memory_space<vmem>>
      %dma_wait3A_40 = arith.constant 0 : i32
      %dma_wait3A_41 = arith.constant 0 : i32
      %dma_wait3A_42 = tpu.memref_slice %arg3[%dma_wait3A_40, %dma_wait3A_41] : memref<2000000x32xf32, #tpu.memory_space<hbm>> -> memref<2000000x32xf32, #tpu.memory_space<hbm>>
      tpu.wait_indirect_dma semaphore(%arg8 : memref<!tpu.dma_semaphore, #tpu.memory_space<semaphore_mem>>) src(%dma_wait3A_42 : memref<2000000x32xf32, #tpu.memory_space<hbm>>) dst(%arg6 : memref<128x32xf32, #tpu.memory_space<vmem>>)
      %mul3A_43 = arith.constant 128 : i32
      %mul3A_44 = arith.muli %add3A_36, %mul3A_43 : i32
      %add3A_45 = arith.addi %mul3A_12, %mul3A_44 : i32
      "tpu.region"() ({
        %run_scoped3A = tpu.sem_alloc : memref<!tpu.dma_semaphore, #tpu.memory_space<semaphore_mem>>
        %dma_start3A_69 = arith.constant 0 : i32
        %dma_start3A_70 = tpu.memref_slice %arg4[%add3A_45, %dma_start3A_69] : memref<409600x32xf32, #tpu.memory_space<hbm>> -> memref<128x32xf32, #tpu.memory_space<hbm>>
        %dma_start3A_71 = arith.constant 0 : i32
        %dma_start3A_72 = tpu.memref_slice %arg4[%add3A_45, %dma_start3A_71] : memref<409600x32xf32, #tpu.memory_space<hbm>> -> memref<128x32xf32, #tpu.memory_space<hbm>>
        tpu.enqueue_dma source(%arg6 : memref<128x32xf32, #tpu.memory_space<vmem>>) target(%dma_start3A_72 : memref<128x32xf32, #tpu.memory_space<hbm>>) target_semaphore(%run_scoped3A : memref<!tpu.dma_semaphore, #tpu.memory_space<semaphore_mem>>)
        %dma_wait3A_73 = arith.constant 0 : i32
        %dma_wait3A_74 = tpu.memref_slice %arg4[%add3A_45, %dma_wait3A_73] : memref<409600x32xf32, #tpu.memory_space<hbm>> -> memref<128x32xf32, #tpu.memory_space<hbm>>
        %dma_wait3A_75 = arith.constant 0 : i32
        %dma_wait3A_76 = tpu.memref_slice %arg4[%add3A_45, %dma_wait3A_75] : memref<409600x32xf32, #tpu.memory_space<hbm>> -> memref<128x32xf32, #tpu.memory_space<hbm>>
        tpu.wait_dma2 semaphore(%run_scoped3A : memref<!tpu.dma_semaphore, #tpu.memory_space<semaphore_mem>>) src(%arg6 : memref<128x32xf32, #tpu.memory_space<vmem>>) dst(%dma_wait3A_76 : memref<128x32xf32, #tpu.memory_space<hbm>>)
        tpu.yield
      }) : () -> ()
      %add3A_46 = arith.constant 2 : i32
      %add3A_47 = arith.addi %add3A_36, %add3A_46 : i32
      %lt3A = arith.constant 100 : i32
      %lt3A_48 = arith.cmpi slt, %add3A_47, %lt3A : i32
      %convert_element_type3A = arith.extui %lt3A_48 : i1 to i32
      %cond3A = arith.constant 0 : i32
      %cond3A_49 = arith.cmpi ne, %convert_element_type3A, %cond3A : i32
      scf.if %cond3A_49 {
        %add3A_69 = arith.constant 2 : i32
        %add3A_70 = arith.addi %add3A_36, %add3A_69 : i32
        %dma_start3A_71 = arith.constant 0 : i32
        %dma_start3A_72 = tpu.memref_slice %arg5[%add3A_70, %dma_start3A_71] : memref<100x128xi32, #tpu.memory_space<vmem>> -> memref<1x128xi32, #tpu.memory_space<vmem>>
        %dma_start3A_73 = tpu.memref_squeeze %dma_start3A_72 : memref<1x128xi32, #tpu.memory_space<vmem>> -> memref<128xi32, #tpu.memory_space<vmem>>
        %dma_start3A_74 = arith.constant 0 : i32
        %dma_start3A_75 = arith.constant 0 : i32
        %dma_start3A_76 = tpu.memref_slice %arg3[%dma_start3A_74, %dma_start3A_75] : memref<2000000x32xf32, #tpu.memory_space<hbm>> -> memref<2000000x32xf32, #tpu.memory_space<hbm>>
        tpu.enqueue_indirect_dma source(%dma_start3A_76 : memref<2000000x32xf32, #tpu.memory_space<hbm>>) target(%arg6 : memref<128x32xf32, #tpu.memory_space<vmem>>) offsets(%dma_start3A_73 : memref<128xi32, #tpu.memory_space<vmem>>) semaphore(%arg8 : memref<!tpu.dma_semaphore, #tpu.memory_space<semaphore_mem>>)
      } else {
      }
      %add3A_50 = arith.constant 1 : i32
      %add3A_51 = arith.addi %mul3A_34, %add3A_50 : i32
      %dma_wait3A_52 = arith.constant 0 : i32
      %dma_wait3A_53 = arith.constant 0 : i32
      %dma_wait3A_54 = tpu.memref_slice %arg5[%dma_wait3A_52, %dma_wait3A_53] : memref<100x128xi32, #tpu.memory_space<vmem>> -> memref<1x128xi32, #tpu.memory_space<vmem>>
      %dma_wait3A_55 = tpu.memref_squeeze %dma_wait3A_54 : memref<1x128xi32, #tpu.memory_space<vmem>> -> memref<128xi32, #tpu.memory_space<vmem>>
      %dma_wait3A_56 = arith.constant 0 : i32
      %dma_wait3A_57 = arith.constant 0 : i32
      %dma_wait3A_58 = tpu.memref_slice %arg3[%dma_wait3A_56, %dma_wait3A_57] : memref<2000000x32xf32, #tpu.memory_space<hbm>> -> memref<2000000x32xf32, #tpu.memory_space<hbm>>
      tpu.wait_indirect_dma semaphore(%arg9 : memref<!tpu.dma_semaphore, #tpu.memory_space<semaphore_mem>>) src(%dma_wait3A_58 : memref<2000000x32xf32, #tpu.memory_space<hbm>>) dst(%arg7 : memref<128x32xf32, #tpu.memory_space<vmem>>)
      %mul3A_59 = arith.constant 128 : i32
      %mul3A_60 = arith.muli %add3A_51, %mul3A_59 : i32
      %add3A_61 = arith.addi %mul3A_12, %mul3A_60 : i32
      "tpu.region"() ({
        %run_scoped3A = tpu.sem_alloc : memref<!tpu.dma_semaphore, #tpu.memory_space<semaphore_mem>>
        %dma_start3A_69 = arith.constant 0 : i32
        %dma_start3A_70 = tpu.memref_slice %arg4[%add3A_61, %dma_start3A_69] : memref<409600x32xf32, #tpu.memory_space<hbm>> -> memref<128x32xf32, #tpu.memory_space<hbm>>
        %dma_start3A_71 = arith.constant 0 : i32
        %dma_start3A_72 = tpu.memref_slice %arg4[%add3A_61, %dma_start3A_71] : memref<409600x32xf32, #tpu.memory_space<hbm>> -> memref<128x32xf32, #tpu.memory_space<hbm>>
        tpu.enqueue_dma source(%arg7 : memref<128x32xf32, #tpu.memory_space<vmem>>) target(%dma_start3A_72 : memref<128x32xf32, #tpu.memory_space<hbm>>) target_semaphore(%run_scoped3A : memref<!tpu.dma_semaphore, #tpu.memory_space<semaphore_mem>>)
        %dma_wait3A_73 = arith.constant 0 : i32
        %dma_wait3A_74 = tpu.memref_slice %arg4[%add3A_61, %dma_wait3A_73] : memref<409600x32xf32, #tpu.memory_space<hbm>> -> memref<128x32xf32, #tpu.memory_space<hbm>>
        %dma_wait3A_75 = arith.constant 0 : i32
        %dma_wait3A_76 = tpu.memref_slice %arg4[%add3A_61, %dma_wait3A_75] : memref<409600x32xf32, #tpu.memory_space<hbm>> -> memref<128x32xf32, #tpu.memory_space<hbm>>
        tpu.wait_dma2 semaphore(%run_scoped3A : memref<!tpu.dma_semaphore, #tpu.memory_space<semaphore_mem>>) src(%arg7 : memref<128x32xf32, #tpu.memory_space<vmem>>) dst(%dma_wait3A_76 : memref<128x32xf32, #tpu.memory_space<hbm>>)
        tpu.yield
      }) : () -> ()
      %add3A_62 = arith.constant 2 : i32
      %add3A_63 = arith.addi %add3A_51, %add3A_62 : i32
      %lt3A_64 = arith.constant 100 : i32
      %lt3A_65 = arith.cmpi slt, %add3A_63, %lt3A_64 : i32
      %convert_element_type3A_66 = arith.extui %lt3A_65 : i1 to i32
      %cond3A_67 = arith.constant 0 : i32
      %cond3A_68 = arith.cmpi ne, %convert_element_type3A_66, %cond3A_67 : i32
      scf.if %cond3A_68 {
        %add3A_69 = arith.constant 2 : i32
        %add3A_70 = arith.addi %add3A_51, %add3A_69 : i32
        %dma_start3A_71 = arith.constant 0 : i32
        %dma_start3A_72 = tpu.memref_slice %arg5[%add3A_70, %dma_start3A_71] : memref<100x128xi32, #tpu.memory_space<vmem>> -> memref<1x128xi32, #tpu.memory_space<vmem>>
        %dma_start3A_73 = tpu.memref_squeeze %dma_start3A_72 : memref<1x128xi32, #tpu.memory_space<vmem>> -> memref<128xi32, #tpu.memory_space<vmem>>
        %dma_start3A_74 = arith.constant 0 : i32
        %dma_start3A_75 = arith.constant 0 : i32
        %dma_start3A_76 = tpu.memref_slice %arg3[%dma_start3A_74, %dma_start3A_75] : memref<2000000x32xf32, #tpu.memory_space<hbm>> -> memref<2000000x32xf32, #tpu.memory_space<hbm>>
        tpu.enqueue_indirect_dma source(%dma_start3A_76 : memref<2000000x32xf32, #tpu.memory_space<hbm>>) target(%arg7 : memref<128x32xf32, #tpu.memory_space<vmem>>) offsets(%dma_start3A_73 : memref<128xi32, #tpu.memory_space<vmem>>) semaphore(%arg9 : memref<!tpu.dma_semaphore, #tpu.memory_space<semaphore_mem>>)
      } else {
      }
    }
    %scan3A_31 = arith.constant 50 : i32
    return
  }
}

module attributes {stable_mosaic.version = 14 : i64} {
  func.func @body(%arg0: i32, %arg1: memref<2048x64xf32, #tpu.memory_space<vmem>>, %arg2: memref<32x64xf32, #tpu.memory_space<vmem>>, %arg3: memref<1x32xf32, #tpu.memory_space<vmem>>, %arg4: memref<2048x32xf32, #tpu.memory_space<vmem>>) attributes {dimension_semantics = [#tpu.dimension_semantics<arbitrary>], iteration_bounds = array<i64: 100>, scalar_prefetch = 0 : i64, scratch_operands = 0 : i64, tpu.core_type = #tpu.core_type<tc>, window_params = [{transform_indices = @transform_0, window_bounds = array<i64: 2048, 64>}, {pipeline_mode = #tpu.pipeline_mode<synchronous>, transform_indices = @transform_1, window_bounds = array<i64: 32, 64>}, {pipeline_mode = #tpu.pipeline_mode<synchronous>, transform_indices = @transform_2, window_bounds = array<i64: 1, 32>}, {transform_indices = @transform_3, window_bounds = array<i64: 2048, 32>}]} {
    %get3A = arith.constant 0 : index
    %get3A_0 = arith.constant 0 : index
    %get3A_1 = vector.load %arg1[%get3A, %get3A_0] : memref<2048x64xf32, #tpu.memory_space<vmem>>, vector<2048x64xf32>
    %get3A_2 = arith.constant 0 : index
    %get3A_3 = arith.constant 0 : index
    %get3A_4 = vector.load %arg2[%get3A_2, %get3A_3] : memref<32x64xf32, #tpu.memory_space<vmem>>, vector<32x64xf32>
    %dot_general3A = arith.constant dense<0.000000e+00> : vector<2048x32xf32>
    %dot_general3A_5 = tpu.matmul %get3A_1, %get3A_4, %dot_general3A {dimension_numbers = #tpu.dot_dimension_numbers<[1], [1], [0], [0], [0, 0, 1, 0], [], []>, transpose_lhs_hint = false} : vector<2048x64xf32>, vector<32x64xf32>, vector<2048x32xf32> -> vector<2048x32xf32>
    %get3A_6 = arith.constant 0 : index
    %get3A_7 = arith.constant 0 : index
    %get3A_8 = vector.load %arg3[%get3A_6, %get3A_7] : memref<1x32xf32, #tpu.memory_space<vmem>>, vector<1x32xf32>
    %add3A = vector.broadcast %get3A_8 : vector<1x32xf32> to vector<2048x32xf32>
    %add3A_9 = arith.addf %dot_general3A_5, %add3A : vector<2048x32xf32>
    %swap3A = arith.constant 0 : index
    %swap3A_10 = arith.constant 0 : index
    %swap3A_11 = vector.load %arg4[%swap3A, %swap3A_10] : memref<2048x32xf32, #tpu.memory_space<vmem>>, vector<2048x32xf32>
    tpu.vector_store %arg4[%swap3A, %swap3A_10], %add3A_9 {strides = array<i32>} : memref<2048x32xf32, #tpu.memory_space<vmem>>, vector<2048x32xf32>,
    return
  }
  func.func @transform_0(%arg0: i32) -> (i32, i32) {
    %c0_i32 = arith.constant 0 : i32
    %c0_i32_0 = arith.constant 0 : i32
    return %arg0, %c0_i32 : i32, i32
  }
  func.func @transform_1(%arg0: i32) -> (i32, i32) {
    %c0_i32 = arith.constant 0 : i32
    %c0_i32_0 = arith.constant 0 : i32
    %c0_i32_1 = arith.constant 0 : i32
    return %c0_i32, %c0_i32_0 : i32, i32
  }
  func.func @transform_2(%arg0: i32) -> (i32, i32) {
    %c0_i32 = arith.constant 0 : i32
    %c0_i32_0 = arith.constant 0 : i32
    %c0_i32_1 = arith.constant 0 : i32
    return %c0_i32, %c0_i32_0 : i32, i32
  }
  func.func @transform_3(%arg0: i32) -> (i32, i32) {
    %c0_i32 = arith.constant 0 : i32
    %c0_i32_0 = arith.constant 0 : i32
    return %arg0, %c0_i32 : i32, i32
  }
}

</mosaic_0001>

<sc_bundles>
// kernel: kernel.4.cloned.1.call-start
scs
__scs_entry_jumppad:
0x0: {  	(pc) =	sbr.rel $0x88, $3  }
0x1: {  	(tag) =	ssettag $0x0;
	lr =	simm.s32 $0x1  }
0x2: {  	[smem:$0x3F9D] =	sst lr;
	_ =	strace $0xD0000000  }
0x3: {  	_ = 	snop  }
0x4: {  	_ = 	snop  }
0x5: {  	_ = 	snop  }
0x6: {  	_ = 	snop  }
0x7: {  	_ = 	snop  }
__scs_overlays_trampoline_lowered:
0x8: {  	[smem:$0x3FAC] =	sst s0  }
0x9: {  	[smem:$0x3FAD] =	sst s1  }
0xa: {  	[smem:$0x3FAE] =	sst s2  }
0xb: {  	[smem:$0x3FAF] =	sst s3  }
0xc: {  	[smem:$0x3FB0] =	sst s4  }
0xd: {  	[smem:$0x3FB1] =	sst s5  }
0xe: {  	[smem:$0x3FB2] =	sst s6  }
0xf: {  	[smem:$0x3FB3] =	sst s7  }
0x10: {  	[smem:$0x3FB4] =	sst s8  }
0x11: {  	[smem:$0x3FB5] =	sst s9;
	s0 =	simm.s32 @!p0 $0x0  }
0x12: {  	s1 =	sld [smem:$0x3F9B];
	s0 =	simm.s32 @p0 $0x1  }
0x13: {  	[smem:$0x3FB6] =	sst s0;
	s0 =	simm.s32 @!p1 $0x0  }
0x14: {  	s2 =	sld [smem:$0x3F9A];
	s0 =	simm.s32 @p1 $0x1  }
0x15: {  	[smem:$0x3FB7] =	sst s0;
	s0 =	simm.s32 @!p2 $0x0  }
0x16: {  	s3 =	sld [smem:$0x3FDB];
	s0 =	simm.s32 @p2 $0x1  }
0x17: {  	s4 =	simm.s32 $0x1BF5;
	[smem:$0x3FB9] =	sst s0  }
0x18: {  	s0 =	sld [smem:$0x3F9C];
	_ =	swait.ge [sflag:s4], $0x0  }
0x19: {  	s7 =	sld [smem:$0x3F9D]  }
0x1a: {  	s8 =	sadd.s32 $0xFFFFE003, lr  }
0x1b: {  	s9 =	sadd.s32 $0xFFFFFEF7, lr;
	s5 =	simm.s32 $0xFFFFFFFF;
	p2 =	slt.u32 s8, $0xFFFFF086  }
0x1c: {  	p1 =	slt.u32 s9, $0xF7A;
	s5 =	simm.s32 @!p2 $0x0  }
0x1d: {  	s5 =	simm.s32 @p1 $0x1;
	p0 =	seq.s32 s7, s2  }
0x1e: {  	s7 =	smul.u32 @!p0 $0xF7A, s2;
	p2 =	seq.s32 @!p0 s5, $0x0  }
0x1f: {  	s9 =	smul.u32 $0xF7A, s1;
	s8 =	simm.s32 @!p0 $0x1BF5;
	p2 =	por !p2, p0  }
0x20: {  	[sflag:s8] =	ssyncset.s32 @!p0 $0xFFFFF086;
	s6 =	sadd.s32 @!p0 s3, s7;
	s7 =	simm.s32 @!p0 $0x108  }
0x21: {  	s3 =	sadd.s32 s3, s9;
	s6 =	sadd.s32 @!p0 $0x88, s6;
	s7 =	simm.s32 @p2 $0x1082  }
0x22: {  	[simem:s7], [sflag:s8] =	dma.local @!p0 [hbm:s6], $0xF7A  }
0x23: {  	s9 =	sor.u32 $0xD0000000, s2;
	s6 =	simm.s32 $0x108;
	_ =	swait.ge @!p0 [sflag:s8], $0x0  }
0x24: {  	s3 =	sadd.s32 $0x88, s3;
	s6 =	simm.s32 @!p1 $0x1082;
	[sflag:s4] =	ssyncset.s32 $0xFFFFF086  }
0x25: {  	[simem:s6], [sflag:s4] =	dma.local [hbm:s3], $0xF7A  }
0x26: {  	[smem:$0x3F9D] =	sst s1;
	(tag) =	ssettag s2;
	_ =	strace s9  }
0x27: {  	s1 =	sld [smem:$0x3FAD]  }
0x28: {  	s2 =	sld [smem:$0x3FAE]  }
0x29: {  	s4 =	sld [smem:$0x3FB0]  }
0x2a: {  	p0 =	seq.s32 s5, $0x0;
	s5 =	sld [smem:$0x3FB1]  }
0x2b: {  	s6 =	sld [smem:$0x3FB2]  }
0x2c: {  	s7 =	sld [smem:$0x3FB3]  }
0x2d: {  	s3 =	simm.s32 $0x108;
	s8 =	sld [smem:$0x3FB4]  }
0x2e: {  	s3 =	simm.s32 @!p0 $0x1082;
	s9 =	sld [smem:$0x3FB5]  }
0x2f: {  	lr =	sadd.s32 s0, s3;
	s0 =	sld [smem:$0x3FAC]  }
0x30: {  	s3 =	sld [smem:$0x3FAF]  }
0x31: {  	[smem:$0x3FB8] =	sst s10  }
0x32: {  	s10 =	sld [smem:$0x3FB6];
	_ =	sdelay $0x3  }
0x33: {  	p0 =	seq.s32 s10, $0x1;
	s10 =	sld [smem:$0x3FB8];
	_ =	sdelay $0x3  }
0x34: {  	[smem:$0x3FB8] =	sst s10  }
0x35: {  	s10 =	sld [smem:$0x3FB7];
	_ =	sdelay $0x3  }
0x36: {  	p1 =	seq.s32 s10, $0x1;
	s10 =	sld [smem:$0x3FB8];
	_ =	sdelay $0x3  }
0x37: {  	[smem:$0x3FB8] =	sst s10  }
0x38: {  	s10 =	sld [smem:$0x3FB9]  }
0x39: {  	_ = 	snop;
	(pc) =	sbr.ind lr, $3  }
0x3a: {  	_ = 	snop  }
0x3b: {  	_ = 	snop  }
0x3c: {  	p2 =	seq.s32 s10, $0x1;
	s10 =	sld [smem:$0x3FB8]  }
0x3d: {  	_ =	shalt  }
0x3e: {  	_ =	shalt  }
0x3f: {  	_ =	shalt  }
0x40: {  	_ =	shalt  }
0x41: {  	_ =	shalt  }
0x42: {  	_ =	shalt  }
0x43: {  	_ =	shalt  }
0x44: {  	_ =	shalt  }
0x45: {  	_ =	shalt  }
0x46: {  	_ =	shalt  }
0x47: {  	_ =	shalt  }
0x48: {  	_ =	shalt  }
0x49: {  	_ =	shalt  }
0x4a: {  	_ =	shalt  }
0x4b: {  	_ =	shalt  }
0x4c: {  	_ =	shalt  }
0x4d: {  	_ =	shalt  }
0x4e: {  	_ =	shalt  }
0x4f: {  	_ =	shalt  }
0x50: {  	_ =	shalt  }
0x51: {  	_ =	shalt  }
0x52: {  	_ =	shalt  }
0x53: {  	_ =	shalt  }
0x54: {  	_ =	shalt  }
0x55: {  	_ =	shalt  }
0x56: {  	_ =	shalt  }
0x57: {  	_ =	shalt  }
0x58: {  	_ =	shalt  }
0x59: {  	_ =	shalt  }
0x5a: {  	_ =	shalt  }
0x5b: {  	_ =	shalt  }
0x5c: {  	_ =	shalt  }
0x5d: {  	_ =	shalt  }
0x5e: {  	_ =	shalt  }
0x5f: {  	_ =	shalt  }
0x60: {  	_ =	shalt  }
0x61: {  	_ =	shalt  }
0x62: {  	_ =	shalt  }
0x63: {  	_ =	shalt  }
0x64: {  	_ =	shalt  }
0x65: {  	_ =	shalt  }
0x66: {  	_ =	shalt  }
0x67: {  	_ =	shalt  }
0x68: {  	_ =	shalt  }
0x69: {  	_ =	shalt  }
0x6a: {  	_ =	shalt  }
0x6b: {  	_ =	shalt  }
0x6c: {  	_ =	shalt  }
0x6d: {  	_ =	shalt  }
0x6e: {  	_ =	shalt  }
0x6f: {  	_ =	shalt  }
0x70: {  	_ =	shalt  }
0x71: {  	_ =	shalt  }
0x72: {  	_ =	shalt  }
0x73: {  	_ =	shalt  }
0x74: {  	_ =	shalt  }
0x75: {  	_ =	shalt  }
0x76: {  	_ =	shalt  }
0x77: {  	_ =	shalt  }
0x78: {  	_ =	shalt  }
0x79: {  	_ =	shalt  }
0x7a: {  	_ =	shalt  }
0x7b: {  	_ =	shalt  }
0x7c: {  	_ =	shalt  }
0x7d: {  	_ =	shalt  }
0x7e: {  	_ =	shalt  }
0x7f: {  	_ =	shalt  }
0x80: {  	_ =	shalt  }
0x81: {  	_ =	shalt  }
0x82: {  	_ =	shalt  }
0x83: {  	_ =	shalt  }
0x84: {  	_ =	shalt  }
0x85: {  	_ =	shalt  }
0x86: {  	_ =	shalt  }
0x87: {  	_ =	shalt  }
.Lfunc_end0:
.L_simem_size_0:
called_computation_lowered:
.L_overlay_start_0:
0x88: {  	s2 =	sld [smem:$0x3FD9]  }
0x89: {  	s3 =	sld [smem:$0x3FFE];
	_ =	sdelay $0x1  }
0x8a: {  	s1 =	srdreg.scid  }
0x8b: {  	s0 =	sand.u32 $0x1, s1  }
0x8c: {  	s17 =	sshll.u32 s0, $0xA;
	s2 =	sadd.s32 s3, s2  }
0x8d: {  	s2 =	sadd.s32 s2, s17  }
0x8e: {  	[smem:$0x3FC4] =	sst s2  }
0x8f: {  	_ = 	snop  }
0x90: {  	s2 =	sld [smem:$0x3FD0];
	(tm) =	ssettm $0x1  }
0x91: {  	s18 =	sld [smem:$0x3FFB];
	_ =	sdelay $0x3  }
0x92: {  	_ =	strace s18  }
0x93: {  	s3 =	sld [smem:$0x3FFC];
	_ =	sdelay $0x3  }
0x94: {  	_ =	strace s3  }
0x95: {  	s3 =	sld [smem:$0x3FFD];
	_ =	sdelay $0x3  }
0x96: {  	_ =	strace s3  }
0x97: {  	_ =	strace $0x8FFFFFFF  }
0x98: {  	s19 =	sld [smem:$0x3FDB];
	_ =	sdelay $0x1  }
0x99: {  	s4 =	simm.s32 $_scs_section_size  }
0x9a: {  	s5 =	simm.s32 $_size__tile_overlayer_lowered;
	s6 =	simm.s32 $_tile_overlayer_lowered  }
0x9b: {  	s22 =	simm.s32 $0x1BFF;
	s21 =	sshll.u32 s6, $0x1;
	s3 =	sadd.s32 s4, s19  }
0x9c: {  	s7 =	simm.s32 $0x0;
	s20 =	sshll.u32 s5, $0x1;
	s5 =	sadd.s32 s21, s3  }
0x9d: {  	[timem:s7], [sflag:s22] =	dma.local [hbm:s5], s20  }
0x9e: {  	_ =	swait.ge [sflag:s22], s20  }
0x9f: {  	s4 =	ssub.s32 $0x0, s20;
	[sflag:s22] =	ssyncset.done $0x0  }
0xa0: {  	[sflag:s22] =	ssyncadd.s32 s4;
	_ =	sdelay $0x1  }
0xa1: {  	s23 =	simm.s32 $0x1B8B  }
0xa2: {  	_ =	swait.ge [sflag:s23], $0x1  }
0xa3: {  	[sflag:s23] =	ssyncset.done $0x0  }
0xa4: {  	s25 =	simm.s32 $0x1B8E;
	s24 =	sld [smem:$0x3FFE];
	[sflag:s23] =	ssyncadd.s32 $0xFFFFFFFF  }
0xa5: {  	s26 =	simm.s32 $execute0_lowered;
	[smem:$0x3FD2] =	sst s25  }
0xa6: {  	s5 =	sshll.u32 s26, $0x1;
	_ =	strace $0x80000046;
	[dreg:$0x1] =	wrdreg $0xFFFFFFFF  }
0xa7: {  	s28 =	simm.s32 $_size_execute0_lowered;
	s3 =	sadd.s32 s3, s5;
	[dreg:$0x0] =	wrdreg $0x0  }
0xa8: {  	s5 =	sshll.u32 s28, $0x1;
	[dreg:$0x2] =	wrdreg s3  }
0xa9: {  	[dreg:$0x3] =	wrdreg s5  }
0xaa: {  	[dreg:$0x4] =	wrdreg $0xC0  }
0xab: {  	_ =	task [dreg:s7], $0x5FFFF  }
0xac: {  	[dreg:$0x1] =	wrdreg $0xFFFFFFFF  }
0xad: {  	[dreg:$0x0] =	wrdreg $0x60  }
0xae: {  	[dreg:$0x2] =	wrdreg s2  }
0xaf: {  	[dreg:$0x3] =	wrdreg s24  }
0xb0: {  	[dreg:$0x4] =	wrdreg $0x9  }
0xb1: {  	_ =	task.clear_ibuf [dreg:s7], $0x5FFFF;
	_ =	strace $0x90000046  }
0xb2: {  	s29 =	simm.s32 $0x9;
	_ =	strace $0x80000048  }
0xb3: {  	_ =	swait.ge [sflag:s29], $0x1  }
0xb4: {  	[sflag:s29] =	ssyncadd.s32 $0xFFFFFFFF  }
0xb5: {  	_ =	strace $0x90000048  }
0xb6: {  	_ =	sfence  }
0xb7: {  	s30 =	sld [smem:$0x0];
	_ =	sdelay $0x2  }
0xb8: {  	s31 =	sshll.u32 s1, $0xD;
	s1 =	sshrl.u32 s1, $0x2  }
0xb9: {  	s3 =	sand.u32 $0x4000, s31;
	s1 =	sadd.s32 s1, s30  }
0xba: {  	s0 =	sor.u32 s3, s0;
	s1 =	sshll.u32 s1, $0x11  }
0xbb: {  	s0 =	sor.u32 s1, s0  }
0xbc: {  	s0 =	sadd.s32 $0x8F2B, s0  }
0xbd: {  	[sflag:s0] =	ssyncadd.remote.s32 $0x1  }
0xbe: {  	_ =	sfence.sel $0xFFFF  }
0xbf: {  	[dreg:$0x0] =	wrdreg $0xFFFFFFFF;
	(pc) =	sbr.abs _section_cstart, $3  }
0xc0: {  	[dreg:$0x1] =	wrdreg $0xFFFFFFFF  }
0xc1: {  	_ =	task.clear_ibuf [dreg:s7], $0x2FFFF;
	_ =	strace $0x9FFFFFFF  }
0xc2: {  	(tm) =	ssettm $0x7FFFFFFF  }
0xc3: {  	_ =	shalt  }
tec
execute0_lowered:
.L_overlay_start_1:
0x0: {  	(tag) =	ssettag $0x1  }
0x1: {  	s4 =	rddreg [dreg:$0x0];
	s1 =	srdreg.scid  }
0x2: {  	s0 =	stileid.u32;
	s5 =	rddreg [dreg:$0x1]  }
0x3: {  	s2 =	simm.s32 $0x0;
	s14 =	simm.s32 $0x1;
	s13 =	smul.u32 $0xC8000, s0  }
0x4: {  	s15 =	simm.s32 $0x2;
	s7 =	sand.u32 $0x1, s1;
	s29 =	smul.u32 $0x19000, s0  }
0x5: {  	s16 =	simm.s32 $0x0;
	s3 =	sshll.u32 s0, $0x1;
	s28 =	smul.u32 $0x64000, s7  }
0x6: {  	s1 =	rddreg [dreg:$0x2];
	s6 =	sor.u32 s7, s3;
	s30 =	smul.u32 $0xC800, s7  }
0x7: {  	[smem:$0x7FF] =	sst s2;
	s12 =	sadd.s32 $0xA00, s5;
	s8 =	smul.u32 $0x640, s6  }
0x8: {  	_ =	strace $0x80000047;
	s10 =	ssub.s32 $0x2, s7;
	s9 =	smul.u32 $0x64000, s6  }
0x9: {  	s3 =	sadd.s32 $0x1E85200, s5;
	s11 =	smul.u32 $0xC800, s6;
	s25 =	sshrl.u32 s10, $0x1  }
0xa: {  	s5 =	ssub.s32 s10, s25;
	s26 =	sshrl.u32 s9, $0x3;
	s4 =	sadd.s32 s4, s8  }
0xb: {  	s5 =	smax.u32 s5, $0x1;
	s31 =	sadd.s32 s11, s12;
	s9 =	sadd.s32 s28, s13  }
0xc: {  	v0 =	vlaneseq.u32;
	s8 =	sadd.s32 s29, s12;
	s11 =	simm.s32 $0x80;
	s13 =	simm.s32 $0x4200  }
0xd: {  	v0 =	vand.u32 $0x1, v0;
	s6 =	sadd.s32 s12, s26;
	s7 =	sadd.s32 $0xC600, s31;
	s9 =	sshrl.u32 s9, $0x3  }
0xe: {  	v0 =	vmul.u32 $0xF4240, v0;
	s10 =	sadd.s32 s30, s8;
	s6 =	sadd.s32 $0xC400, s6;
	s8 =	sadd.s32 s9, s12  }
0xf: {  	s9 =	sadd.s32 $0x200, s10;
	s10 =	simm.s32 $0x3;
	s12 =	simm.s32 $0x3200  }
.LBB2_1:
0x10: {  	[tilespmem:s2], [sflag:$0x3] =	stream.linear.gather [hbm4b:s4+s2], $0x3200, $0x38;
	[tilespmem:$0x5200] =	vst v63  }
0x11: {  	_ =	swait.ge [sflag:s10], $0x3200  }
0x12: {  	[sflag:s10] =	ssyncset.done $0x0  }
0x13: {  	s17 =	simm.s32 $0x0;
	[sflag:s10] =	ssyncadd.s32 $0xFFFFCE00  }
0x14: {  	v3 =	vld [tilespmem:s17+$0x0]  }
0x15: {  	v5 =	vld [tilespmem:s17+$0x10]  }
0x16: {  	v4 =	vld [tilespmem:s17+$0x20]  }
0x17: {  	v2 =	vld [tilespmem:s17+$0x30]  }
0x18: {  	v1 =	vld [tilespmem:s17+$0x40]  }
0x19: {  	v6 =	vadd.s32 v0, v3;
	v3 =	vld [tilespmem:s17+$0x50]  }
0x1a: {  	s18 =	simm.s32 $0x200;
	[tilespmem:s17+$0x0] =	vst v6;
	v6 =	vadd.s32 v0, v5;
	v5 =	vld [tilespmem:s17+$0x60]  }
.LBB2_2:
0x1b: {  	s19 =	sshra.s32 s18, $0x2;
	p0 =	sne.s32 s18, $0xC600;
	[tilespmem:s17+$0x10] =	vst v6;
	v4 =	vadd.s32 v0, v4;
	v6 =	vld [tilespmem:s17+$0x70]  }
0x1c: {  	v7 =	vld [tilespmem:s19+$0x0];
	[tilespmem:s17+$0x20] =	vst v4;
	v2 =	vadd.s32 v0, v2  }
0x1d: {  	v8 =	vld [tilespmem:s19+$0x10];
	[tilespmem:s17+$0x30] =	vst v2;
	v1 =	vadd.s32 v0, v1  }
.Ltmp0:
0x1e: {  	v4 =	vld [tilespmem:s19+$0x20];
	[tilespmem:s17+$0x40] =	vst v1;
	v1 =	vadd.s32 v0, v3;
	(pc) =	sbr.rel @p0 .LBB2_2-.Ltmp0, $4  }
0x1f: {  	v2 =	vld [tilespmem:s19+$0x30];
	[tilespmem:s17+$0x50] =	vst v1;
	v3 =	vadd.s32 v0, v5  }
0x20: {  	v1 =	vld [tilespmem:s19+$0x40];
	[tilespmem:s17+$0x60] =	vst v3;
	v5 =	vadd.s32 v0, v6  }
0x21: {  	v6 =	vadd.s32 v0, v7;
	v3 =	vld [tilespmem:s19+$0x50];
	[tilespmem:s17+$0x70] =	vst v5;
	s17 =	smov.u32 s19  }
0x22: {  	s18 =	sadd.s32 $0x200, s18;
	[tilespmem:s17+$0x0] =	vst v6;
	v6 =	vadd.s32 v0, v8;
	v5 =	vld [tilespmem:s17+$0x60]  }
0x23: {  	[tilespmem:s17+$0x10] =	vst v6;
	v4 =	vadd.s32 v0, v4;
	v63 =	vld [tilespmem:s17+$0x70]  }
0x24: {  	[tilespmem:s17+$0x20] =	vst v4;
	v2 =	vadd.s32 v0, v2  }
0x25: {  	[tilespmem:s17+$0x30] =	vst v2;
	v1 =	vadd.s32 v0, v1  }
0x26: {  	[tilespmem:s17+$0x40] =	vst v1;
	v1 =	vadd.s32 v0, v3  }
0x27: {  	[tilespmem:s17+$0x50] =	vst v1;
	v1 =	vadd.s32 v0, v5  }
0x28: {  	[tilespmem:s17+$0x60] =	vst v1;
	v1 =	vadd.s32 v0, v63  }
0x29: {  	s28 =	simm.s32 $0x0;
	[tilespmem:s17+$0x70] =	vst v1  }
0x2a: {  	[tilespmem:s12], [sflag:$0x1] =	stream.indirect.gather [hbm4b:s3+s11], $0x20, s28, s11, $0xb8;
	[tilespmem:$0x5200] =	vst v63  }
0x2b: {  	_ = 	snop  }
0x2c: {  	[tilespmem:s13], [sflag:$0x2] =	stream.indirect.gather [hbm4b:s3+s11], $0x20, s11, s11, $0xb8;
	[tilespmem:$0x5200] =	vst v63  }
0x2d: {  	_ =	swait.ge [sflag:s14], $0x1000  }
0x2e: {  	[sflag:s14] =	ssyncset.done $0x0  }
0x2f: {  	s29 =	sadd.s32 $0x0, s8;
	[sflag:s14] =	ssyncadd.s32 $0xFFFFF000  }
0x30: {  	[hbm4b:s29+s2] =	stream.linear.scatter [tilespmem:s12], [sflag:$0x3], $0x1000, $0x38;
	[tilespmem:$0x5200] =	vst v63  }
0x31: {  	_ =	swait.ge [sflag:s10], $0x1000  }
0x32: {  	[sflag:s10] =	ssyncset.done $0x0  }
0x33: {  	s30 =	simm.s32 $0x100;
	[sflag:s10] =	ssyncadd.s32 $0xFFFFF000  }
0x34: {  	[tilespmem:s12], [sflag:$0x1] =	stream.indirect.gather [hbm4b:s3+s11], $0x20, s30, s11, $0xb8;
	[tilespmem:$0x5200] =	vst v63  }
0x35: {  	_ =	swait.ge [sflag:s15], $0x1000  }
0x36: {  	[sflag:s15] =	ssyncset.done $0x0  }
0x37: {  	s31 =	sadd.s32 $0x0, s9;
	[sflag:s15] =	ssyncadd.s32 $0xFFFFF000  }
0x38: {  	[hbm4b:s31+s2] =	stream.linear.scatter [tilespmem:s13], [sflag:$0x3], $0x1000, $0x38;
	[tilespmem:$0x5200] =	vst v63  }
0x39: {  	_ =	swait.ge [sflag:s10], $0x1000  }
0x3a: {  	[sflag:s10] =	ssyncset.done $0x0  }
0x3b: {  	s18 =	simm.s32 $0x180;
	s17 =	simm.s32 $0x400;
	[sflag:s10] =	ssyncadd.s32 $0xFFFFF000  }
.LBB2_4:
0x3c: {  	[tilespmem:s13], [sflag:$0x2] =	stream.indirect.gather [hbm4b:s3+s11], $0x20, s18, s11, $0xb8;
	[tilespmem:$0x5200] =	vst v63  }
0x3d: {  	s18 =	smov.u32 s17  }
0x3e: {  	p0 =	sne.s32 s17, $0xC000;
	s17 =	sadd.s32 $0x400, s17;
	_ =	swait.ge [sflag:s14], $0x1000  }
0x3f: {  	[sflag:s14] =	ssyncset.done $0x0  }
0x40: {  	s19 =	sadd.s32 s18, s8;
	[sflag:s14] =	ssyncadd.s32 $0xFFFFF000  }
0x41: {  	[hbm4b:s19+s2] =	stream.linear.scatter [tilespmem:s12], [sflag:$0x3], $0x1000, $0x38;
	[tilespmem:$0x5200] =	vst v63  }
0x42: {  	_ =	swait.ge [sflag:s10], $0x1000  }
0x43: {  	s19 =	sshra.s32 s18, $0x2;
	[sflag:s10] =	ssyncset.done $0x0  }
0x44: {  	s20 =	sadd.s32 $0x100, s19;
	[sflag:s10] =	ssyncadd.s32 $0xFFFFF000  }
0x45: {  	[tilespmem:s12], [sflag:$0x1] =	stream.indirect.gather [hbm4b:s3+s11], $0x20, s20, s11, $0xb8;
	[tilespmem:$0x5200] =	vst v63  }
0x46: {  	_ =	swait.ge [sflag:s15], $0x1000  }
0x47: {  	[sflag:s15] =	ssyncset.done $0x0  }
.Ltmp1:
0x48: {  	s18 =	sadd.s32 s18, s9;
	[sflag:s15] =	ssyncadd.s32 $0xFFFFF000;
	(pc) =	sbr.rel @p0 .LBB2_4-.Ltmp1, $4  }
0x49: {  	[hbm4b:s18+s2] =	stream.linear.scatter [tilespmem:s13], [sflag:$0x3], $0x1000, $0x38;
	[tilespmem:$0x5200] =	vst v63  }
0x4a: {  	_ =	swait.ge [sflag:s10], $0x1000  }
0x4b: {  	[sflag:s10] =	ssyncset.done $0x0  }
0x4c: {  	s18 =	sadd.s32 $0x180, s19;
	[sflag:s10] =	ssyncadd.s32 $0xFFFFF000  }
0x4d: {  	[tilespmem:s13], [sflag:$0x2] =	stream.indirect.gather [hbm4b:s3+s11], $0x20, s18, s11, $0xb8;
	[tilespmem:$0x5200] =	vst v63  }
0x4e: {  	_ =	swait.ge [sflag:s14], $0x1000  }
0x4f: {  	[sflag:s14] =	ssyncset.done $0x0  }
0x50: {  	[sflag:s14] =	ssyncadd.s32 $0xFFFFF000  }
0x51: {  	[hbm4b:s6+s2] =	stream.linear.scatter [tilespmem:s12], [sflag:$0x3], $0x1000, $0x38;
	[tilespmem:$0x5200] =	vst v63  }
0x52: {  	_ =	swait.ge [sflag:s10], $0x1000  }
0x53: {  	[sflag:s10] =	ssyncset.done $0x0  }
0x54: {  	[sflag:s10] =	ssyncadd.s32 $0xFFFFF000  }
0x55: {  	s16 =	sadd.s32 $0x1, s16;
	_ =	swait.ge [sflag:s15], $0x1000  }
0x56: {  	p0 =	sne.s32 s16, s5;
	[sflag:s15] =	ssyncset.done $0x0  }
.Ltmp2:
0x57: {  	[sflag:s15] =	ssyncadd.s32 $0xFFFFF000;
	(pc) =	sbr.rel @p0 .LBB2_1-.Ltmp2, $4  }
0x58: {  	[hbm4b:s7+s2] =	stream.linear.scatter [tilespmem:s13], [sflag:$0x3], $0x1000, $0x38;
	[tilespmem:$0x5200] =	vst v63  }
0x59: {  	_ =	swait.ge [sflag:s10], $0x1000  }
0x5a: {  	[sflag:s10] =	ssyncset.done $0x0  }
0x5b: {  	[sflag:s10] =	ssyncadd.s32 $0xFFFFF000  }
0x5c: {  	_ =	sfence.sel $0x180000  }
0x5d: {  	[bflag:$0x0] =	sbarrier.arrive $0xFFFF  }
0x5e: {  	p0 =	sne.s32 s0, $0x0;
	_ =	strace $0x90000047  }
0x5f: {  	s0 =	sadd.s32 @!p0 $0x100000, s1;
	[bflag:$0x2] =	sbarrier.arrive $0xFFFF  }
0x60: {  	[sflag:s0] =	ssyncadd.tile.s32 @!p0 $0x1;
	_ =	shalt  }
.Lfunc_end2:
_tile_overlayer_lowered:
.L_overlay_start_2:
0x61: {  	(tag) =	ssettag $0x2  }
0x62: {  	s0 =	rddreg [dreg:$0x0];
	s2 =	stileid.u32  }
0x63: {  	s1 =	rddreg [dreg:$0x1];
	p0 =	sne.s32 s2, $0x0  }
0x64: {  	s3 =	rddreg [dreg:$0x2];
	[bflag:$0x3] =	sbarrier.arrive $0xFFFF;
	s2 =	simm.s32 @!p0 $0x1C03  }
0x65: {  	[timem:s3], [sflag:s2] =	dma.local @!p0 [hbm:s0], s1  }
0x66: {  	s0 =	simm.s32 @!p0 $0x3  }
0x67: {  	_ =	swait.ge @!p0 [sflag:s0], s1  }
0x68: {  	s1 =	ssub.s32 @!p0 $0x0, s1;
	[sflag:s0] =	ssyncset.done @!p0 $0x0  }
0x69: {  	[sflag:s0] =	ssyncadd.s32 @!p0 s1  }
0x6a: {  	[bflag:$0x3] =	sbarrier.arrive $0xFFFF  }
0x6b: {  	_ =	shalt  }

</sc_bundles>
